<compile_context>
chip_gen: v7x
topology: tpu7x:2x2x1
jax: 0.10.2.dev20260603
libtpu: 0.0.44.dev20260713+nightly
codegen_flags: <defaults>
</compile_context>

<pallas_src>
import functools

import jax
import jax.numpy as jnp
from jax import lax
from jax.experimental import pallas as pl
from jax.experimental.pallas import tpu as pltpu
from jax.experimental.pallas import tpu_sc as plsc

_B = 4096
_L = 50
_D = 768
_N = _B * _L
_NE = 7
_NC = 2
_NS = 16
_NW = _NC * _NS
_BW = _B // _NW
_BPW = _N // _NW
_NBT = _B // 8
_NU = _L * _NBT
_UPW = _NU // _NW


def _sc_lookup(idx_flat, table_flat):
    mesh = plsc.VectorSubcoreMesh(core_axis_name="c", subcore_axis_name="s")

    @functools.partial(
        pl.kernel,
        mesh=mesh,
        out_type=jax.ShapeDtypeStruct((_L, _B, _D), jnp.float32),
        scratch_types=[
            pltpu.VMEM((_NE * _D,), jnp.float32),
            pltpu.VMEM((3 * (_B + 16),), jnp.int32),
            pltpu.VMEM((98304,), jnp.int32),
            pltpu.SemaphoreType.DMA,
        ],
        compiler_params=pltpu.CompilerParams(
            needs_layout_passes=False, use_tc_tiling_on_sc=True),
    )
    def k(table_hbm, idx_hbm, out_hbm, table_v, idx_v, dummy_v, wsem):
        wid = lax.axis_index("s") * _NC + lax.axis_index("c")
        u0 = wid * _UPW
        l0 = u0 // _NBT
        pltpu.sync_copy(table_hbm, table_v)
        for lr in range(3):
            l_src = jnp.minimum(l0 + lr, _L - 1)
            pltpu.sync_copy(
                idx_hbm.at[pl.ds(pl.multiple_of(l_src * _B, 8), _B)],
                idx_v.at[pl.ds(lr * (_B + 16), _B)])

        def ubody(ul, carry):
            u = u0 + ul
            l = u >> 9
            bt = u & (_NBT - 1)
            lr = l - l0
            ev = idx_v[pl.ds(lr * (_B + 16) + 8 * bt, 16)]

            for kk in range(8):
                e_off = pl.multiple_of(ev[kk] * _D, 8)
                pltpu.async_copy(
                    table_v.at[pl.ds(e_off, _D)],
                    out_hbm.at[l, 8 * bt + kk],
                    wsem)
            return carry

        lax.fori_loop(0, _UPW, ubody, 0)

        def drain(j, carry):
            pltpu.make_async_copy(
                idx_hbm.at[pl.ds(0, 98304)], dummy_v, wsem).wait()
            return carry

        lax.fori_loop(0, _BPW * 3072 // (98304 * 4), drain, 0)

    return k(table_flat, idx_flat)


def kernel(detect_emo, emo_emb):
    idx = detect_emo.astype(jnp.int32).T.reshape(_N)
    out_lbd = _sc_lookup(idx, emo_emb.reshape(_NE * _D))
    return jnp.transpose(out_lbd, (1, 0, 2))

# --- scband reference (transcript-rebuilt; emitter-appended) ---
"""Pipeline reference for scband-emotion-polarity-31533649887995 (READ-ONLY COPY).

The authoritative reference and input builder live on the scoring server;
editing this copy changes nothing except your own understanding.
"""

import jax, jax.numpy as jnp
import numpy as np

B = 4096
L = 50
NUM_EMO = 7
D = 768

def setup_inputs(seed: int = 0) -> dict:
    key = jax.random.key(seed)
    k_idx, k_emb = jax.random.split(key)
    # detect_emo: per-clause emotion class index in [0, 7), 0 = no emotion
    detect_emo = jax.random.randint(k_idx, (B, L), 0, NUM_EMO, dtype=jnp.int64)
    # nn.Embedding(7, 768) weight
    emo_emb = jax.random.normal(k_emb, (NUM_EMO, D), dtype=jnp.float32) * 0.02
    return {"detect_emo": detect_emo, "emo_emb": emo_emb}

def reference(detect_emo, emo_emb):
    # Faithful core computation of EmotionPolarity.forward: the string/tokenizer
    # preprocessing produces an integer index matrix detect_emo[b, clause] in
    # [0, 7); the tensor compute is an embedding lookup:
    #   emo_clause_emb[b][idx] = self.emo_emb(detect_emo[b][idx])
    emo_clause_emb = jnp.take(emo_emb, detect_emo, axis=0)  # [B, L, 768]
    return emo_clause_emb

if __name__ == "__main__":
    import jax
    _d = setup_inputs()
    print(jax.jit(kernel)(*tuple(_d.values())))

</pallas_src>

<mosaic_0001>
#map = affine_map<(d0, d1) -> (0)>
#map1 = affine_map<(d0, d1) -> (0, 0, 0)>
module attributes {stable_mosaic.version = 14 : i64} {
  func.func @k(%arg0: i32, %arg1: i32, %arg2: memref<5376xf32, #tpu.memory_space<hbm>>, %arg3: memref<204800xi32, #tpu.memory_space<hbm>>, %arg4: memref<50x4096x768xf32, #tpu.memory_space<hbm>>, %arg5: memref<5376xf32, #tpu.memory_space<vmem>>, %arg6: memref<12336xi32, #tpu.memory_space<vmem>>, %arg7: memref<98304xi32, #tpu.memory_space<vmem>>, %arg8: memref<!tpu.dma_semaphore, #tpu.memory_space<semaphore_mem>>) attributes {dimension_semantics = [#tpu.dimension_semantics<core_parallel>, #tpu.dimension_semantics<subcore_parallel>], iteration_bounds = array<i64: 2, 16>, scalar_prefetch = 0 : i64, scratch_operands = 4 : i64, tpu.core_type = #tpu.core_type<sc_vector_subcore>, window_params = [{transform_indices = #map}, {transform_indices = #map}, {transform_indices = #map1}]} {
    %mul3A = arith.constant 2 : i32
    %mul3A_0 = arith.muli %arg1, %mul3A : i32
    %add3A = arith.addi %mul3A_0, %arg0 : i32
    %mul3A_1 = arith.constant 800 : i32
    %mul3A_2 = arith.muli %add3A, %mul3A_1 : i32
    %jit3A = arith.constant 512 : i32
    %div3A = arith.divsi %mul3A_2, %jit3A : i32
    %sign3A = arith.constant 0 : i32
    %sign3A_3 = arith.cmpi sgt, %mul3A_2, %sign3A : i32
    %sign3A_4 = arith.extui %sign3A_3 : i1 to i32
    %sign3A_5 = arith.constant 0 : i32
    %sign3A_6 = arith.cmpi slt, %mul3A_2, %sign3A_5 : i32
    %sign3A_7 = arith.extui %sign3A_6 : i1 to i32
    %sign3A_8 = arith.subi %sign3A_4, %sign3A_7 : i32
    %sign3A_9 = arith.constant 0 : i32
    %sign3A_10 = arith.cmpi sgt, %jit3A, %sign3A_9 : i32
    %sign3A_11 = arith.extui %sign3A_10 : i1 to i32
    %sign3A_12 = arith.constant 0 : i32
    %sign3A_13 = arith.cmpi slt, %jit3A, %sign3A_12 : i32
    %sign3A_14 = arith.extui %sign3A_13 : i1 to i32
    %sign3A_15 = arith.subi %sign3A_11, %sign3A_14 : i32
    %ne3A = arith.cmpi ne, %sign3A_8, %sign3A_15 : i32
    %rem3A = arith.remsi %mul3A_2, %jit3A : i32
    %ne3A_16 = arith.constant 0 : i32
    %ne3A_17 = arith.cmpi ne, %rem3A, %ne3A_16 : i32
    %and3A = arith.andi %ne3A, %ne3A_17 : i1
    %sub3A = arith.constant 1 : i32
    %sub3A_18 = arith.subi %div3A, %sub3A : i32
    %select_n3A = arith.select %and3A, %sub3A_18, %div3A : i32
    "tpu.region"() ({
      %run_scoped3A = tpu.sem_alloc : memref<!tpu.dma_semaphore, #tpu.memory_space<semaphore_mem>>
      tpu.enqueue_dma source(%arg2 : memref<5376xf32, #tpu.memory_space<hbm>>) target(%arg5 : memref<5376xf32, #tpu.memory_space<vmem>>) target_semaphore(%run_scoped3A : memref<!tpu.dma_semaphore, #tpu.memory_space<semaphore_mem>>)
      tpu.wait_dma2 semaphore(%run_scoped3A : memref<!tpu.dma_semaphore, #tpu.memory_space<semaphore_mem>>) src(%arg2 : memref<5376xf32, #tpu.memory_space<hbm>>) dst(%arg5 : memref<5376xf32, #tpu.memory_space<vmem>>)
      tpu.yield
    }) : () -> ()
    %add3A_19 = arith.constant 0 : i32
    %add3A_20 = arith.addi %select_n3A, %add3A_19 : i32
    %min3A = arith.constant 49 : i32
    %min3A_21 = arith.minsi %add3A_20, %min3A : i32
    %mul3A_22 = arith.constant 4096 : i32
    %mul3A_23 = arith.muli %min3A_21, %mul3A_22 : i32
    %multiple_of3A = tpu.assume_multiple %mul3A_23, 8 : i32
    "tpu.region"() ({
      %run_scoped3A = tpu.sem_alloc : memref<!tpu.dma_semaphore, #tpu.memory_space<semaphore_mem>>
      %dma_start3A = arith.constant 0 : i32
      %dma_start3A_49 = tpu.memref_slice %arg6[%dma_start3A] : memref<12336xi32, #tpu.memory_space<vmem>> -> memref<4096xi32, #tpu.memory_space<vmem>>
      %dma_start3A_50 = tpu.memref_slice %arg3[%multiple_of3A] : memref<204800xi32, #tpu.memory_space<hbm>> -> memref<4096xi32, #tpu.memory_space<hbm>>
      %dma_start3A_51 = arith.constant 0 : i32
      %dma_start3A_52 = tpu.memref_slice %arg6[%dma_start3A_51] : memref<12336xi32, #tpu.memory_space<vmem>> -> memref<4096xi32, #tpu.memory_space<vmem>>
      %dma_start3A_53 = tpu.memref_slice %arg3[%multiple_of3A] : memref<204800xi32, #tpu.memory_space<hbm>> -> memref<4096xi32, #tpu.memory_space<hbm>>
      tpu.enqueue_dma source(%dma_start3A_53 : memref<4096xi32, #tpu.memory_space<hbm>>) target(%dma_start3A_52 : memref<4096xi32, #tpu.memory_space<vmem>>) target_semaphore(%run_scoped3A : memref<!tpu.dma_semaphore, #tpu.memory_space<semaphore_mem>>)
      %dma_wait3A = arith.constant 0 : i32
      %dma_wait3A_54 = tpu.memref_slice %arg6[%dma_wait3A] : memref<12336xi32, #tpu.memory_space<vmem>> -> memref<4096xi32, #tpu.memory_space<vmem>>
      %dma_wait3A_55 = tpu.memref_slice %arg3[%multiple_of3A] : memref<204800xi32, #tpu.memory_space<hbm>> -> memref<4096xi32, #tpu.memory_space<hbm>>
      %dma_wait3A_56 = arith.constant 0 : i32
      %dma_wait3A_57 = tpu.memref_slice %arg6[%dma_wait3A_56] : memref<12336xi32, #tpu.memory_space<vmem>> -> memref<4096xi32, #tpu.memory_space<vmem>>
      %dma_wait3A_58 = tpu.memref_slice %arg3[%multiple_of3A] : memref<204800xi32, #tpu.memory_space<hbm>> -> memref<4096xi32, #tpu.memory_space<hbm>>
      tpu.wait_dma2 semaphore(%run_scoped3A : memref<!tpu.dma_semaphore, #tpu.memory_space<semaphore_mem>>) src(%dma_wait3A_58 : memref<4096xi32, #tpu.memory_space<hbm>>) dst(%dma_wait3A_57 : memref<4096xi32, #tpu.memory_space<vmem>>)
      tpu.yield
    }) : () -> ()
    %add3A_24 = arith.constant 1 : i32
    %add3A_25 = arith.addi %select_n3A, %add3A_24 : i32
    %min3A_26 = arith.constant 49 : i32
    %min3A_27 = arith.minsi %add3A_25, %min3A_26 : i32
    %mul3A_28 = arith.constant 4096 : i32
    %mul3A_29 = arith.muli %min3A_27, %mul3A_28 : i32
    %multiple_of3A_30 = tpu.assume_multiple %mul3A_29, 8 : i32
    "tpu.region"() ({
      %run_scoped3A = tpu.sem_alloc : memref<!tpu.dma_semaphore, #tpu.memory_space<semaphore_mem>>
      %dma_start3A = arith.constant 4112 : i32
      %dma_start3A_49 = tpu.memref_slice %arg6[%dma_start3A] : memref<12336xi32, #tpu.memory_space<vmem>> -> memref<4096xi32, #tpu.memory_space<vmem>>
      %dma_start3A_50 = tpu.memref_slice %arg3[%multiple_of3A_30] : memref<204800xi32, #tpu.memory_space<hbm>> -> memref<4096xi32, #tpu.memory_space<hbm>>
      %dma_start3A_51 = arith.constant 4112 : i32
      %dma_start3A_52 = tpu.memref_slice %arg6[%dma_start3A_51] : memref<12336xi32, #tpu.memory_space<vmem>> -> memref<4096xi32, #tpu.memory_space<vmem>>
      %dma_start3A_53 = tpu.memref_slice %arg3[%multiple_of3A_30] : memref<204800xi32, #tpu.memory_space<hbm>> -> memref<4096xi32, #tpu.memory_space<hbm>>
      tpu.enqueue_dma source(%dma_start3A_53 : memref<4096xi32, #tpu.memory_space<hbm>>) target(%dma_start3A_52 : memref<4096xi32, #tpu.memory_space<vmem>>) target_semaphore(%run_scoped3A : memref<!tpu.dma_semaphore, #tpu.memory_space<semaphore_mem>>)
      %dma_wait3A = arith.constant 4112 : i32
      %dma_wait3A_54 = tpu.memref_slice %arg6[%dma_wait3A] : memref<12336xi32, #tpu.memory_space<vmem>> -> memref<4096xi32, #tpu.memory_space<vmem>>
      %dma_wait3A_55 = tpu.memref_slice %arg3[%multiple_of3A_30] : memref<204800xi32, #tpu.memory_space<hbm>> -> memref<4096xi32, #tpu.memory_space<hbm>>
      %dma_wait3A_56 = arith.constant 4112 : i32
      %dma_wait3A_57 = tpu.memref_slice %arg6[%dma_wait3A_56] : memref<12336xi32, #tpu.memory_space<vmem>> -> memref<4096xi32, #tpu.memory_space<vmem>>
      %dma_wait3A_58 = tpu.memref_slice %arg3[%multiple_of3A_30] : memref<204800xi32, #tpu.memory_space<hbm>> -> memref<4096xi32, #tpu.memory_space<hbm>>
      tpu.wait_dma2 semaphore(%run_scoped3A : memref<!tpu.dma_semaphore, #tpu.memory_space<semaphore_mem>>) src(%dma_wait3A_58 : memref<4096xi32, #tpu.memory_space<hbm>>) dst(%dma_wait3A_57 : memref<4096xi32, #tpu.memory_space<vmem>>)
      tpu.yield
    }) : () -> ()
    %add3A_31 = arith.constant 2 : i32
    %add3A_32 = arith.addi %select_n3A, %add3A_31 : i32
    %min3A_33 = arith.constant 49 : i32
    %min3A_34 = arith.minsi %add3A_32, %min3A_33 : i32
    %mul3A_35 = arith.constant 4096 : i32
    %mul3A_36 = arith.muli %min3A_34, %mul3A_35 : i32
    %multiple_of3A_37 = tpu.assume_multiple %mul3A_36, 8 : i32
    "tpu.region"() ({
      %run_scoped3A = tpu.sem_alloc : memref<!tpu.dma_semaphore, #tpu.memory_space<semaphore_mem>>
      %dma_start3A = arith.constant 8224 : i32
      %dma_start3A_49 = tpu.memref_slice %arg6[%dma_start3A] : memref<12336xi32, #tpu.memory_space<vmem>> -> memref<4096xi32, #tpu.memory_space<vmem>>
      %dma_start3A_50 = tpu.memref_slice %arg3[%multiple_of3A_37] : memref<204800xi32, #tpu.memory_space<hbm>> -> memref<4096xi32, #tpu.memory_space<hbm>>
      %dma_start3A_51 = arith.constant 8224 : i32
      %dma_start3A_52 = tpu.memref_slice %arg6[%dma_start3A_51] : memref<12336xi32, #tpu.memory_space<vmem>> -> memref<4096xi32, #tpu.memory_space<vmem>>
      %dma_start3A_53 = tpu.memref_slice %arg3[%multiple_of3A_37] : memref<204800xi32, #tpu.memory_space<hbm>> -> memref<4096xi32, #tpu.memory_space<hbm>>
      tpu.enqueue_dma source(%dma_start3A_53 : memref<4096xi32, #tpu.memory_space<hbm>>) target(%dma_start3A_52 : memref<4096xi32, #tpu.memory_space<vmem>>) target_semaphore(%run_scoped3A : memref<!tpu.dma_semaphore, #tpu.memory_space<semaphore_mem>>)
      %dma_wait3A = arith.constant 8224 : i32
      %dma_wait3A_54 = tpu.memref_slice %arg6[%dma_wait3A] : memref<12336xi32, #tpu.memory_space<vmem>> -> memref<4096xi32, #tpu.memory_space<vmem>>
      %dma_wait3A_55 = tpu.memref_slice %arg3[%multiple_of3A_37] : memref<204800xi32, #tpu.memory_space<hbm>> -> memref<4096xi32, #tpu.memory_space<hbm>>
      %dma_wait3A_56 = arith.constant 8224 : i32
      %dma_wait3A_57 = tpu.memref_slice %arg6[%dma_wait3A_56] : memref<12336xi32, #tpu.memory_space<vmem>> -> memref<4096xi32, #tpu.memory_space<vmem>>
      %dma_wait3A_58 = tpu.memref_slice %arg3[%multiple_of3A_37] : memref<204800xi32, #tpu.memory_space<hbm>> -> memref<4096xi32, #tpu.memory_space<hbm>>
      tpu.wait_dma2 semaphore(%run_scoped3A : memref<!tpu.dma_semaphore, #tpu.memory_space<semaphore_mem>>) src(%dma_wait3A_58 : memref<4096xi32, #tpu.memory_space<hbm>>) dst(%dma_wait3A_57 : memref<4096xi32, #tpu.memory_space<vmem>>)
      tpu.yield
    }) : () -> ()
    %scan3A = arith.constant 0 : i32
    %scan3A_38 = arith.constant 0 : i32
    %scan3A_39 = arith.constant 800 : i32
    %scan3A_40 = arith.addi %scan3A_38, %scan3A_39 : i32
    %scan3A_41 = arith.constant 1 : i32
    scf.for %scan3A_49 = %scan3A_38 to %scan3A_40 step %scan3A_41  : i32 {
      %add3A_50 = arith.addi %mul3A_2, %scan3A_49 : i32
      %shift_right_arithmetic3A = arith.constant 9 : i32
      %shift_right_arithmetic3A_51 = arith.shrsi %add3A_50, %shift_right_arithmetic3A : i32
      %and3A_52 = arith.constant 511 : i32
      %and3A_53 = arith.andi %add3A_50, %and3A_52 : i32
      %sub3A_54 = arith.subi %shift_right_arithmetic3A_51, %select_n3A : i32
      %mul3A_55 = arith.constant 4112 : i32
      %mul3A_56 = arith.muli %sub3A_54, %mul3A_55 : i32
      %mul3A_57 = arith.constant 8 : i32
      %mul3A_58 = arith.muli %mul3A_57, %and3A_53 : i32
      %add3A_59 = arith.addi %mul3A_56, %mul3A_58 : i32
      %get3A = arith.index_cast %add3A_59 : i32 to index
      %get3A_60 = tpu.vector_load %arg6[%get3A] {strides = array<i32>} : memref<12336xi32, #tpu.memory_space<vmem>>, vector<16xi32>,
      %slice3A = vector.extract_strided_slice %get3A_60 {offsets = [0], sizes = [1], strides = [1]} : vector<16xi32> to vector<1xi32>
      %squeeze3A = vector.extract %slice3A[0] : i32 from vector<1xi32>
      %mul3A_61 = arith.constant 768 : i32
      %mul3A_62 = arith.muli %squeeze3A, %mul3A_61 : i32
      %multiple_of3A_63 = tpu.assume_multiple %mul3A_62, 8 : i32
      %mul3A_64 = arith.constant 8 : i32
      %mul3A_65 = arith.muli %mul3A_64, %and3A_53 : i32
      %add3A_66 = arith.constant 0 : i32
      %add3A_67 = arith.addi %mul3A_65, %add3A_66 : i32
      %dma_start3A = tpu.memref_slice %arg5[%multiple_of3A_63] : memref<5376xf32, #tpu.memory_space<vmem>> -> memref<768xf32, #tpu.memory_space<vmem>>
      %dma_start3A_68 = arith.constant 0 : i32
      %dma_start3A_69 = tpu.memref_slice %arg4[%shift_right_arithmetic3A_51, %add3A_67, %dma_start3A_68] : memref<50x4096x768xf32, #tpu.memory_space<hbm>> -> memref<1x1x768xf32, #tpu.memory_space<hbm>>
      %dma_start3A_70 = tpu.memref_squeeze %dma_start3A_69 : memref<1x1x768xf32, #tpu.memory_space<hbm>> -> memref<768xf32, #tpu.memory_space<hbm>>
      %dma_start3A_71 = arith.constant 0 : i32
      %dma_start3A_72 = tpu.memref_slice %arg4[%shift_right_arithmetic3A_51, %add3A_67, %dma_start3A_71] : memref<50x4096x768xf32, #tpu.memory_space<hbm>> -> memref<1x1x768xf32, #tpu.memory_space<hbm>>
      %dma_start3A_73 = tpu.memref_squeeze %dma_start3A_72 : memref<1x1x768xf32, #tpu.memory_space<hbm>> -> memref<768xf32, #tpu.memory_space<hbm>>
      %dma_start3A_74 = tpu.memref_slice %arg5[%multiple_of3A_63] : memref<5376xf32, #tpu.memory_space<vmem>> -> memref<768xf32, #tpu.memory_space<vmem>>
      tpu.enqueue_dma source(%dma_start3A_74 : memref<768xf32, #tpu.memory_space<vmem>>) target(%dma_start3A_73 : memref<768xf32, #tpu.memory_space<hbm>>) target_semaphore(%arg8 : memref<!tpu.dma_semaphore, #tpu.memory_space<semaphore_mem>>)
      %slice3A_75 = vector.extract_strided_slice %get3A_60 {offsets = [1], sizes = [1], strides = [1]} : vector<16xi32> to vector<1xi32>
      %squeeze3A_76 = vector.extract %slice3A_75[0] : i32 from vector<1xi32>
      %mul3A_77 = arith.constant 768 : i32
      %mul3A_78 = arith.muli %squeeze3A_76, %mul3A_77 : i32
      %multiple_of3A_79 = tpu.assume_multiple %mul3A_78, 8 : i32
      %mul3A_80 = arith.constant 8 : i32
      %mul3A_81 = arith.muli %mul3A_80, %and3A_53 : i32
      %add3A_82 = arith.constant 1 : i32
      %add3A_83 = arith.addi %mul3A_81, %add3A_82 : i32
      %dma_start3A_84 = tpu.memref_slice %arg5[%multiple_of3A_79] : memref<5376xf32, #tpu.memory_space<vmem>> -> memref<768xf32, #tpu.memory_space<vmem>>
      %dma_start3A_85 = arith.constant 0 : i32
      %dma_start3A_86 = tpu.memref_slice %arg4[%shift_right_arithmetic3A_51, %add3A_83, %dma_start3A_85] : memref<50x4096x768xf32, #tpu.memory_space<hbm>> -> memref<1x1x768xf32, #tpu.memory_space<hbm>>
      %dma_start3A_87 = tpu.memref_squeeze %dma_start3A_86 : memref<1x1x768xf32, #tpu.memory_space<hbm>> -> memref<768xf32, #tpu.memory_space<hbm>>
      %dma_start3A_88 = arith.constant 0 : i32
      %dma_start3A_89 = tpu.memref_slice %arg4[%shift_right_arithmetic3A_51, %add3A_83, %dma_start3A_88] : memref<50x4096x768xf32, #tpu.memory_space<hbm>> -> memref<1x1x768xf32, #tpu.memory_space<hbm>>
      %dma_start3A_90 = tpu.memref_squeeze %dma_start3A_89 : memref<1x1x768xf32, #tpu.memory_space<hbm>> -> memref<768xf32, #tpu.memory_space<hbm>>
      %dma_start3A_91 = tpu.memref_slice %arg5[%multiple_of3A_79] : memref<5376xf32, #tpu.memory_space<vmem>> -> memref<768xf32, #tpu.memory_space<vmem>>
      tpu.enqueue_dma source(%dma_start3A_91 : memref<768xf32, #tpu.memory_space<vmem>>) target(%dma_start3A_90 : memref<768xf32, #tpu.memory_space<hbm>>) target_semaphore(%arg8 : memref<!tpu.dma_semaphore, #tpu.memory_space<semaphore_mem>>)
      %slice3A_92 = vector.extract_strided_slice %get3A_60 {offsets = [2], sizes = [1], strides = [1]} : vector<16xi32> to vector<1xi32>
      %squeeze3A_93 = vector.extract %slice3A_92[0] : i32 from vector<1xi32>
      %mul3A_94 = arith.constant 768 : i32
      %mul3A_95 = arith.muli %squeeze3A_93, %mul3A_94 : i32
      %multiple_of3A_96 = tpu.assume_multiple %mul3A_95, 8 : i32
      %mul3A_97 = arith.constant 8 : i32
      %mul3A_98 = arith.muli %mul3A_97, %and3A_53 : i32
      %add3A_99 = arith.constant 2 : i32
      %add3A_100 = arith.addi %mul3A_98, %add3A_99 : i32
      %dma_start3A_101 = tpu.memref_slice %arg5[%multiple_of3A_96] : memref<5376xf32, #tpu.memory_space<vmem>> -> memref<768xf32, #tpu.memory_space<vmem>>
      %dma_start3A_102 = arith.constant 0 : i32
      %dma_start3A_103 = tpu.memref_slice %arg4[%shift_right_arithmetic3A_51, %add3A_100, %dma_start3A_102] : memref<50x4096x768xf32, #tpu.memory_space<hbm>> -> memref<1x1x768xf32, #tpu.memory_space<hbm>>
      %dma_start3A_104 = tpu.memref_squeeze %dma_start3A_103 : memref<1x1x768xf32, #tpu.memory_space<hbm>> -> memref<768xf32, #tpu.memory_space<hbm>>
      %dma_start3A_105 = arith.constant 0 : i32
      %dma_start3A_106 = tpu.memref_slice %arg4[%shift_right_arithmetic3A_51, %add3A_100, %dma_start3A_105] : memref<50x4096x768xf32, #tpu.memory_space<hbm>> -> memref<1x1x768xf32, #tpu.memory_space<hbm>>
      %dma_start3A_107 = tpu.memref_squeeze %dma_start3A_106 : memref<1x1x768xf32, #tpu.memory_space<hbm>> -> memref<768xf32, #tpu.memory_space<hbm>>
      %dma_start3A_108 = tpu.memref_slice %arg5[%multiple_of3A_96] : memref<5376xf32, #tpu.memory_space<vmem>> -> memref<768xf32, #tpu.memory_space<vmem>>
      tpu.enqueue_dma source(%dma_start3A_108 : memref<768xf32, #tpu.memory_space<vmem>>) target(%dma_start3A_107 : memref<768xf32, #tpu.memory_space<hbm>>) target_semaphore(%arg8 : memref<!tpu.dma_semaphore, #tpu.memory_space<semaphore_mem>>)
      %slice3A_109 = vector.extract_strided_slice %get3A_60 {offsets = [3], sizes = [1], strides = [1]} : vector<16xi32> to vector<1xi32>
      %squeeze3A_110 = vector.extract %slice3A_109[0] : i32 from vector<1xi32>
      %mul3A_111 = arith.constant 768 : i32
      %mul3A_112 = arith.muli %squeeze3A_110, %mul3A_111 : i32
      %multiple_of3A_113 = tpu.assume_multiple %mul3A_112, 8 : i32
      %mul3A_114 = arith.constant 8 : i32
      %mul3A_115 = arith.muli %mul3A_114, %and3A_53 : i32
      %add3A_116 = arith.constant 3 : i32
      %add3A_117 = arith.addi %mul3A_115, %add3A_116 : i32
      %dma_start3A_118 = tpu.memref_slice %arg5[%multiple_of3A_113] : memref<5376xf32, #tpu.memory_space<vmem>> -> memref<768xf32, #tpu.memory_space<vmem>>
      %dma_start3A_119 = arith.constant 0 : i32
      %dma_start3A_120 = tpu.memref_slice %arg4[%shift_right_arithmetic3A_51, %add3A_117, %dma_start3A_119] : memref<50x4096x768xf32, #tpu.memory_space<hbm>> -> memref<1x1x768xf32, #tpu.memory_space<hbm>>
      %dma_start3A_121 = tpu.memref_squeeze %dma_start3A_120 : memref<1x1x768xf32, #tpu.memory_space<hbm>> -> memref<768xf32, #tpu.memory_space<hbm>>
      %dma_start3A_122 = arith.constant 0 : i32
      %dma_start3A_123 = tpu.memref_slice %arg4[%shift_right_arithmetic3A_51, %add3A_117, %dma_start3A_122] : memref<50x4096x768xf32, #tpu.memory_space<hbm>> -> memref<1x1x768xf32, #tpu.memory_space<hbm>>
      %dma_start3A_124 = tpu.memref_squeeze %dma_start3A_123 : memref<1x1x768xf32, #tpu.memory_space<hbm>> -> memref<768xf32, #tpu.memory_space<hbm>>
      %dma_start3A_125 = tpu.memref_slice %arg5[%multiple_of3A_113] : memref<5376xf32, #tpu.memory_space<vmem>> -> memref<768xf32, #tpu.memory_space<vmem>>
      tpu.enqueue_dma source(%dma_start3A_125 : memref<768xf32, #tpu.memory_space<vmem>>) target(%dma_start3A_124 : memref<768xf32, #tpu.memory_space<hbm>>) target_semaphore(%arg8 : memref<!tpu.dma_semaphore, #tpu.memory_space<semaphore_mem>>)
      %slice3A_126 = vector.extract_strided_slice %get3A_60 {offsets = [4], sizes = [1], strides = [1]} : vector<16xi32> to vector<1xi32>
      %squeeze3A_127 = vector.extract %slice3A_126[0] : i32 from vector<1xi32>
      %mul3A_128 = arith.constant 768 : i32
      %mul3A_129 = arith.muli %squeeze3A_127, %mul3A_128 : i32
      %multiple_of3A_130 = tpu.assume_multiple %mul3A_129, 8 : i32
      %mul3A_131 = arith.constant 8 : i32
      %mul3A_132 = arith.muli %mul3A_131, %and3A_53 : i32
      %add3A_133 = arith.constant 4 : i32
      %add3A_134 = arith.addi %mul3A_132, %add3A_133 : i32
      %dma_start3A_135 = tpu.memref_slice %arg5[%multiple_of3A_130] : memref<5376xf32, #tpu.memory_space<vmem>> -> memref<768xf32, #tpu.memory_space<vmem>>
      %dma_start3A_136 = arith.constant 0 : i32
      %dma_start3A_137 = tpu.memref_slice %arg4[%shift_right_arithmetic3A_51, %add3A_134, %dma_start3A_136] : memref<50x4096x768xf32, #tpu.memory_space<hbm>> -> memref<1x1x768xf32, #tpu.memory_space<hbm>>
      %dma_start3A_138 = tpu.memref_squeeze %dma_start3A_137 : memref<1x1x768xf32, #tpu.memory_space<hbm>> -> memref<768xf32, #tpu.memory_space<hbm>>
      %dma_start3A_139 = arith.constant 0 : i32
      %dma_start3A_140 = tpu.memref_slice %arg4[%shift_right_arithmetic3A_51, %add3A_134, %dma_start3A_139] : memref<50x4096x768xf32, #tpu.memory_space<hbm>> -> memref<1x1x768xf32, #tpu.memory_space<hbm>>
      %dma_start3A_141 = tpu.memref_squeeze %dma_start3A_140 : memref<1x1x768xf32, #tpu.memory_space<hbm>> -> memref<768xf32, #tpu.memory_space<hbm>>
      %dma_start3A_142 = tpu.memref_slice %arg5[%multiple_of3A_130] : memref<5376xf32, #tpu.memory_space<vmem>> -> memref<768xf32, #tpu.memory_space<vmem>>
      tpu.enqueue_dma source(%dma_start3A_142 : memref<768xf32, #tpu.memory_space<vmem>>) target(%dma_start3A_141 : memref<768xf32, #tpu.memory_space<hbm>>) target_semaphore(%arg8 : memref<!tpu.dma_semaphore, #tpu.memory_space<semaphore_mem>>)
      %slice3A_143 = vector.extract_strided_slice %get3A_60 {offsets = [5], sizes = [1], strides = [1]} : vector<16xi32> to vector<1xi32>
      %squeeze3A_144 = vector.extract %slice3A_143[0] : i32 from vector<1xi32>
      %mul3A_145 = arith.constant 768 : i32
      %mul3A_146 = arith.muli %squeeze3A_144, %mul3A_145 : i32
      %multiple_of3A_147 = tpu.assume_multiple %mul3A_146, 8 : i32
      %mul3A_148 = arith.constant 8 : i32
      %mul3A_149 = arith.muli %mul3A_148, %and3A_53 : i32
      %add3A_150 = arith.constant 5 : i32
      %add3A_151 = arith.addi %mul3A_149, %add3A_150 : i32
      %dma_start3A_152 = tpu.memref_slice %arg5[%multiple_of3A_147] : memref<5376xf32, #tpu.memory_space<vmem>> -> memref<768xf32, #tpu.memory_space<vmem>>
      %dma_start3A_153 = arith.constant 0 : i32
      %dma_start3A_154 = tpu.memref_slice %arg4[%shift_right_arithmetic3A_51, %add3A_151, %dma_start3A_153] : memref<50x4096x768xf32, #tpu.memory_space<hbm>> -> memref<1x1x768xf32, #tpu.memory_space<hbm>>
      %dma_start3A_155 = tpu.memref_squeeze %dma_start3A_154 : memref<1x1x768xf32, #tpu.memory_space<hbm>> -> memref<768xf32, #tpu.memory_space<hbm>>
      %dma_start3A_156 = arith.constant 0 : i32
      %dma_start3A_157 = tpu.memref_slice %arg4[%shift_right_arithmetic3A_51, %add3A_151, %dma_start3A_156] : memref<50x4096x768xf32, #tpu.memory_space<hbm>> -> memref<1x1x768xf32, #tpu.memory_space<hbm>>
      %dma_start3A_158 = tpu.memref_squeeze %dma_start3A_157 : memref<1x1x768xf32, #tpu.memory_space<hbm>> -> memref<768xf32, #tpu.memory_space<hbm>>
      %dma_start3A_159 = tpu.memref_slice %arg5[%multiple_of3A_147] : memref<5376xf32, #tpu.memory_space<vmem>> -> memref<768xf32, #tpu.memory_space<vmem>>
      tpu.enqueue_dma source(%dma_start3A_159 : memref<768xf32, #tpu.memory_space<vmem>>) target(%dma_start3A_158 : memref<768xf32, #tpu.memory_space<hbm>>) target_semaphore(%arg8 : memref<!tpu.dma_semaphore, #tpu.memory_space<semaphore_mem>>)
      %slice3A_160 = vector.extract_strided_slice %get3A_60 {offsets = [6], sizes = [1], strides = [1]} : vector<16xi32> to vector<1xi32>
      %squeeze3A_161 = vector.extract %slice3A_160[0] : i32 from vector<1xi32>
      %mul3A_162 = arith.constant 768 : i32
      %mul3A_163 = arith.muli %squeeze3A_161, %mul3A_162 : i32
      %multiple_of3A_164 = tpu.assume_multiple %mul3A_163, 8 : i32
      %mul3A_165 = arith.constant 8 : i32
      %mul3A_166 = arith.muli %mul3A_165, %and3A_53 : i32
      %add3A_167 = arith.constant 6 : i32
      %add3A_168 = arith.addi %mul3A_166, %add3A_167 : i32
      %dma_start3A_169 = tpu.memref_slice %arg5[%multiple_of3A_164] : memref<5376xf32, #tpu.memory_space<vmem>> -> memref<768xf32, #tpu.memory_space<vmem>>
      %dma_start3A_170 = arith.constant 0 : i32
      %dma_start3A_171 = tpu.memref_slice %arg4[%shift_right_arithmetic3A_51, %add3A_168, %dma_start3A_170] : memref<50x4096x768xf32, #tpu.memory_space<hbm>> -> memref<1x1x768xf32, #tpu.memory_space<hbm>>
      %dma_start3A_172 = tpu.memref_squeeze %dma_start3A_171 : memref<1x1x768xf32, #tpu.memory_space<hbm>> -> memref<768xf32, #tpu.memory_space<hbm>>
      %dma_start3A_173 = arith.constant 0 : i32
      %dma_start3A_174 = tpu.memref_slice %arg4[%shift_right_arithmetic3A_51, %add3A_168, %dma_start3A_173] : memref<50x4096x768xf32, #tpu.memory_space<hbm>> -> memref<1x1x768xf32, #tpu.memory_space<hbm>>
      %dma_start3A_175 = tpu.memref_squeeze %dma_start3A_174 : memref<1x1x768xf32, #tpu.memory_space<hbm>> -> memref<768xf32, #tpu.memory_space<hbm>>
      %dma_start3A_176 = tpu.memref_slice %arg5[%multiple_of3A_164] : memref<5376xf32, #tpu.memory_space<vmem>> -> memref<768xf32, #tpu.memory_space<vmem>>
      tpu.enqueue_dma source(%dma_start3A_176 : memref<768xf32, #tpu.memory_space<vmem>>) target(%dma_start3A_175 : memref<768xf32, #tpu.memory_space<hbm>>) target_semaphore(%arg8 : memref<!tpu.dma_semaphore, #tpu.memory_space<semaphore_mem>>)
      %slice3A_177 = vector.extract_strided_slice %get3A_60 {offsets = [7], sizes = [1], strides = [1]} : vector<16xi32> to vector<1xi32>
      %squeeze3A_178 = vector.extract %slice3A_177[0] : i32 from vector<1xi32>
      %mul3A_179 = arith.constant 768 : i32
      %mul3A_180 = arith.muli %squeeze3A_178, %mul3A_179 : i32
      %multiple_of3A_181 = tpu.assume_multiple %mul3A_180, 8 : i32
      %mul3A_182 = arith.constant 8 : i32
      %mul3A_183 = arith.muli %mul3A_182, %and3A_53 : i32
      %add3A_184 = arith.constant 7 : i32
      %add3A_185 = arith.addi %mul3A_183, %add3A_184 : i32
      %dma_start3A_186 = tpu.memref_slice %arg5[%multiple_of3A_181] : memref<5376xf32, #tpu.memory_space<vmem>> -> memref<768xf32, #tpu.memory_space<vmem>>
      %dma_start3A_187 = arith.constant 0 : i32
      %dma_start3A_188 = tpu.memref_slice %arg4[%shift_right_arithmetic3A_51, %add3A_185, %dma_start3A_187] : memref<50x4096x768xf32, #tpu.memory_space<hbm>> -> memref<1x1x768xf32, #tpu.memory_space<hbm>>
      %dma_start3A_189 = tpu.memref_squeeze %dma_start3A_188 : memref<1x1x768xf32, #tpu.memory_space<hbm>> -> memref<768xf32, #tpu.memory_space<hbm>>
      %dma_start3A_190 = arith.constant 0 : i32
      %dma_start3A_191 = tpu.memref_slice %arg4[%shift_right_arithmetic3A_51, %add3A_185, %dma_start3A_190] : memref<50x4096x768xf32, #tpu.memory_space<hbm>> -> memref<1x1x768xf32, #tpu.memory_space<hbm>>
      %dma_start3A_192 = tpu.memref_squeeze %dma_start3A_191 : memref<1x1x768xf32, #tpu.memory_space<hbm>> -> memref<768xf32, #tpu.memory_space<hbm>>
      %dma_start3A_193 = tpu.memref_slice %arg5[%multiple_of3A_181] : memref<5376xf32, #tpu.memory_space<vmem>> -> memref<768xf32, #tpu.memory_space<vmem>>
      tpu.enqueue_dma source(%dma_start3A_193 : memref<768xf32, #tpu.memory_space<vmem>>) target(%dma_start3A_192 : memref<768xf32, #tpu.memory_space<hbm>>) target_semaphore(%arg8 : memref<!tpu.dma_semaphore, #tpu.memory_space<semaphore_mem>>)
    }
    %scan3A_42 = arith.constant 800 : i32
    %scan3A_43 = arith.constant 0 : i32
    %scan3A_44 = arith.constant 0 : i32
    %scan3A_45 = arith.constant 50 : i32
    %scan3A_46 = arith.addi %scan3A_44, %scan3A_45 : i32
    %scan3A_47 = arith.constant 1 : i32
    scf.for %scan3A_49 = %scan3A_44 to %scan3A_46 step %scan3A_47  : i32 {
      %dma_wait3A = arith.constant 0 : i32
      %dma_wait3A_50 = tpu.memref_slice %arg3[%dma_wait3A] : memref<204800xi32, #tpu.memory_space<hbm>> -> memref<98304xi32, #tpu.memory_space<hbm>>
      %dma_wait3A_51 = arith.constant 0 : i32
      %dma_wait3A_52 = tpu.memref_slice %arg3[%dma_wait3A_51] : memref<204800xi32, #tpu.memory_space<hbm>> -> memref<98304xi32, #tpu.memory_space<hbm>>
      tpu.wait_dma2 semaphore(%arg8 : memref<!tpu.dma_semaphore, #tpu.memory_space<semaphore_mem>>) src(%dma_wait3A_52 : memref<98304xi32, #tpu.memory_space<hbm>>) dst(%arg7 : memref<98304xi32, #tpu.memory_space<vmem>>)
    }
    %scan3A_48 = arith.constant 50 : i32
    return
  }
}

</mosaic_0001>

<sc_bundles>
// kernel: kernel.3.cloned.1.call-start
scs
__scs_entry_jumppad:
0x0: {  	(pc) =	sbr.rel $0x88, $3  }
0x1: {  	(tag) =	ssettag $0x0;
	lr =	simm.s32 $0x1  }
0x2: {  	[smem:$0x3F9F] =	sst lr;
	_ =	strace $0xD0000000  }
0x3: {  	_ = 	snop  }
0x4: {  	_ = 	snop  }
0x5: {  	_ = 	snop  }
0x6: {  	_ = 	snop  }
0x7: {  	_ = 	snop  }
__scs_overlays_trampoline_lowered:
0x8: {  	[smem:$0x3FAE] =	sst s0  }
0x9: {  	[smem:$0x3FAF] =	sst s1  }
0xa: {  	[smem:$0x3FB0] =	sst s2  }
0xb: {  	[smem:$0x3FB1] =	sst s3  }
0xc: {  	[smem:$0x3FB2] =	sst s4  }
0xd: {  	[smem:$0x3FB3] =	sst s5  }
0xe: {  	[smem:$0x3FB4] =	sst s6  }
0xf: {  	[smem:$0x3FB5] =	sst s7  }
0x10: {  	[smem:$0x3FB6] =	sst s8  }
0x11: {  	[smem:$0x3FB7] =	sst s9;
	s0 =	simm.s32 @!p0 $0x0  }
0x12: {  	s1 =	sld [smem:$0x3F9D];
	s0 =	simm.s32 @p0 $0x1  }
0x13: {  	[smem:$0x3FB8] =	sst s0;
	s0 =	simm.s32 @!p1 $0x0  }
0x14: {  	s2 =	sld [smem:$0x3F9C];
	s0 =	simm.s32 @p1 $0x1  }
0x15: {  	[smem:$0x3FB9] =	sst s0;
	s0 =	simm.s32 @!p2 $0x0  }
0x16: {  	s3 =	sld [smem:$0x3FDB];
	s0 =	simm.s32 @p2 $0x1  }
0x17: {  	s4 =	simm.s32 $0x1BF5;
	[smem:$0x3FBB] =	sst s0  }
0x18: {  	s0 =	sld [smem:$0x3F9E];
	_ =	swait.ge [sflag:s4], $0x0  }
0x19: {  	s7 =	sld [smem:$0x3F9F]  }
0x1a: {  	s8 =	sadd.s32 $0xFFFFE003, lr  }
0x1b: {  	s9 =	sadd.s32 $0xFFFFFEF7, lr;
	s5 =	simm.s32 $0xFFFFFFFF;
	p2 =	slt.u32 s8, $0xFFFFF086  }
0x1c: {  	p1 =	slt.u32 s9, $0xF7A;
	s5 =	simm.s32 @!p2 $0x0  }
0x1d: {  	s5 =	simm.s32 @p1 $0x1;
	p0 =	seq.s32 s7, s2  }
0x1e: {  	s7 =	smul.u32 @!p0 $0xF7A, s2;
	p2 =	seq.s32 @!p0 s5, $0x0  }
0x1f: {  	s9 =	smul.u32 $0xF7A, s1;
	s8 =	simm.s32 @!p0 $0x1BF5;
	p2 =	por !p2, p0  }
0x20: {  	[sflag:s8] =	ssyncset.s32 @!p0 $0xFFFFF086;
	s6 =	sadd.s32 @!p0 s3, s7;
	s7 =	simm.s32 @!p0 $0x108  }
0x21: {  	s3 =	sadd.s32 s3, s9;
	s6 =	sadd.s32 @!p0 $0x88, s6;
	s7 =	simm.s32 @p2 $0x1082  }
0x22: {  	[simem:s7], [sflag:s8] =	dma.local @!p0 [hbm:s6], $0xF7A  }
0x23: {  	s9 =	sor.u32 $0xD0000000, s2;
	s6 =	simm.s32 $0x108;
	_ =	swait.ge @!p0 [sflag:s8], $0x0  }
0x24: {  	s3 =	sadd.s32 $0x88, s3;
	s6 =	simm.s32 @!p1 $0x1082;
	[sflag:s4] =	ssyncset.s32 $0xFFFFF086  }
0x25: {  	[simem:s6], [sflag:s4] =	dma.local [hbm:s3], $0xF7A  }
0x26: {  	[smem:$0x3F9F] =	sst s1;
	(tag) =	ssettag s2;
	_ =	strace s9  }
0x27: {  	s1 =	sld [smem:$0x3FAF]  }
0x28: {  	s2 =	sld [smem:$0x3FB0]  }
0x29: {  	s4 =	sld [smem:$0x3FB2]  }
0x2a: {  	p0 =	seq.s32 s5, $0x0;
	s5 =	sld [smem:$0x3FB3]  }
0x2b: {  	s6 =	sld [smem:$0x3FB4]  }
0x2c: {  	s7 =	sld [smem:$0x3FB5]  }
0x2d: {  	s3 =	simm.s32 $0x108;
	s8 =	sld [smem:$0x3FB6]  }
0x2e: {  	s3 =	simm.s32 @!p0 $0x1082;
	s9 =	sld [smem:$0x3FB7]  }
0x2f: {  	lr =	sadd.s32 s0, s3;
	s0 =	sld [smem:$0x3FAE]  }
0x30: {  	s3 =	sld [smem:$0x3FB1]  }
0x31: {  	[smem:$0x3FBA] =	sst s10  }
0x32: {  	s10 =	sld [smem:$0x3FB8];
	_ =	sdelay $0x3  }
0x33: {  	p0 =	seq.s32 s10, $0x1;
	s10 =	sld [smem:$0x3FBA];
	_ =	sdelay $0x3  }
0x34: {  	[smem:$0x3FBA] =	sst s10  }
0x35: {  	s10 =	sld [smem:$0x3FB9];
	_ =	sdelay $0x3  }
0x36: {  	p1 =	seq.s32 s10, $0x1;
	s10 =	sld [smem:$0x3FBA];
	_ =	sdelay $0x3  }
0x37: {  	[smem:$0x3FBA] =	sst s10  }
0x38: {  	s10 =	sld [smem:$0x3FBB]  }
0x39: {  	_ = 	snop;
	(pc) =	sbr.ind lr, $3  }
0x3a: {  	_ = 	snop  }
0x3b: {  	_ = 	snop  }
0x3c: {  	p2 =	seq.s32 s10, $0x1;
	s10 =	sld [smem:$0x3FBA]  }
0x3d: {  	_ =	shalt  }
0x3e: {  	_ =	shalt  }
0x3f: {  	_ =	shalt  }
0x40: {  	_ =	shalt  }
0x41: {  	_ =	shalt  }
0x42: {  	_ =	shalt  }
0x43: {  	_ =	shalt  }
0x44: {  	_ =	shalt  }
0x45: {  	_ =	shalt  }
0x46: {  	_ =	shalt  }
0x47: {  	_ =	shalt  }
0x48: {  	_ =	shalt  }
0x49: {  	_ =	shalt  }
0x4a: {  	_ =	shalt  }
0x4b: {  	_ =	shalt  }
0x4c: {  	_ =	shalt  }
0x4d: {  	_ =	shalt  }
0x4e: {  	_ =	shalt  }
0x4f: {  	_ =	shalt  }
0x50: {  	_ =	shalt  }
0x51: {  	_ =	shalt  }
0x52: {  	_ =	shalt  }
0x53: {  	_ =	shalt  }
0x54: {  	_ =	shalt  }
0x55: {  	_ =	shalt  }
0x56: {  	_ =	shalt  }
0x57: {  	_ =	shalt  }
0x58: {  	_ =	shalt  }
0x59: {  	_ =	shalt  }
0x5a: {  	_ =	shalt  }
0x5b: {  	_ =	shalt  }
0x5c: {  	_ =	shalt  }
0x5d: {  	_ =	shalt  }
0x5e: {  	_ =	shalt  }
0x5f: {  	_ =	shalt  }
0x60: {  	_ =	shalt  }
0x61: {  	_ =	shalt  }
0x62: {  	_ =	shalt  }
0x63: {  	_ =	shalt  }
0x64: {  	_ =	shalt  }
0x65: {  	_ =	shalt  }
0x66: {  	_ =	shalt  }
0x67: {  	_ =	shalt  }
0x68: {  	_ =	shalt  }
0x69: {  	_ =	shalt  }
0x6a: {  	_ =	shalt  }
0x6b: {  	_ =	shalt  }
0x6c: {  	_ =	shalt  }
0x6d: {  	_ =	shalt  }
0x6e: {  	_ =	shalt  }
0x6f: {  	_ =	shalt  }
0x70: {  	_ =	shalt  }
0x71: {  	_ =	shalt  }
0x72: {  	_ =	shalt  }
0x73: {  	_ =	shalt  }
0x74: {  	_ =	shalt  }
0x75: {  	_ =	shalt  }
0x76: {  	_ =	shalt  }
0x77: {  	_ =	shalt  }
0x78: {  	_ =	shalt  }
0x79: {  	_ =	shalt  }
0x7a: {  	_ =	shalt  }
0x7b: {  	_ =	shalt  }
0x7c: {  	_ =	shalt  }
0x7d: {  	_ =	shalt  }
0x7e: {  	_ =	shalt  }
0x7f: {  	_ =	shalt  }
0x80: {  	_ =	shalt  }
0x81: {  	_ =	shalt  }
0x82: {  	_ =	shalt  }
0x83: {  	_ =	shalt  }
0x84: {  	_ =	shalt  }
0x85: {  	_ =	shalt  }
0x86: {  	_ =	shalt  }
0x87: {  	_ =	shalt  }
.Lfunc_end0:
.L_simem_size_0:
called_computation_lowered:
.L_overlay_start_0:
0x88: {  	s2 =	sld [smem:$0x3FD9]  }
0x89: {  	s3 =	sld [smem:$0x3FFE];
	_ =	sdelay $0x1  }
0x8a: {  	s1 =	srdreg.scid  }
0x8b: {  	s0 =	sand.u32 $0x1, s1  }
0x8c: {  	s17 =	sshll.u32 s0, $0xA;
	s2 =	sadd.s32 s3, s2  }
0x8d: {  	s2 =	sadd.s32 s2, s17  }
0x8e: {  	[smem:$0x3FC6] =	sst s2  }
0x8f: {  	_ = 	snop  }
0x90: {  	s2 =	sld [smem:$0x3FD0];
	(tm) =	ssettm $0x1  }
0x91: {  	s18 =	sld [smem:$0x3FFB];
	_ =	sdelay $0x3  }
0x92: {  	_ =	strace s18  }
0x93: {  	s3 =	sld [smem:$0x3FFC];
	_ =	sdelay $0x3  }
0x94: {  	_ =	strace s3  }
0x95: {  	s3 =	sld [smem:$0x3FFD];
	_ =	sdelay $0x3  }
0x96: {  	_ =	strace s3  }
0x97: {  	_ =	strace $0x8FFFFFFF  }
0x98: {  	s19 =	sld [smem:$0x3FDB];
	_ =	sdelay $0x1  }
0x99: {  	s4 =	simm.s32 $_scs_section_size  }
0x9a: {  	s5 =	simm.s32 $_size__tile_overlayer_lowered;
	s6 =	simm.s32 $_tile_overlayer_lowered  }
0x9b: {  	s22 =	simm.s32 $0x1BFF;
	s21 =	sshll.u32 s6, $0x1;
	s3 =	sadd.s32 s4, s19  }
0x9c: {  	s7 =	simm.s32 $0x0;
	s20 =	sshll.u32 s5, $0x1;
	s5 =	sadd.s32 s21, s3  }
0x9d: {  	[timem:s7], [sflag:s22] =	dma.local [hbm:s5], s20  }
0x9e: {  	_ =	swait.ge [sflag:s22], s20  }
0x9f: {  	s4 =	ssub.s32 $0x0, s20;
	[sflag:s22] =	ssyncset.done $0x0  }
0xa0: {  	[sflag:s22] =	ssyncadd.s32 s4;
	_ =	sdelay $0x1  }
0xa1: {  	s23 =	simm.s32 $0x1B8B  }
0xa2: {  	_ =	swait.ge [sflag:s23], $0x1  }
0xa3: {  	[sflag:s23] =	ssyncset.done $0x0  }
0xa4: {  	s25 =	simm.s32 $0x1B8E;
	s24 =	sld [smem:$0x3FFE];
	[sflag:s23] =	ssyncadd.s32 $0xFFFFFFFF  }
0xa5: {  	s26 =	simm.s32 $execute0_lowered;
	[smem:$0x3FD2] =	sst s25  }
0xa6: {  	s5 =	sshll.u32 s26, $0x1;
	_ =	strace $0x80000046;
	[dreg:$0x1] =	wrdreg $0xFFFFFFFF  }
0xa7: {  	s28 =	simm.s32 $_size_execute0_lowered;
	s3 =	sadd.s32 s3, s5;
	[dreg:$0x0] =	wrdreg $0x0  }
0xa8: {  	s5 =	sshll.u32 s28, $0x1;
	[dreg:$0x2] =	wrdreg s3  }
0xa9: {  	[dreg:$0x3] =	wrdreg s5  }
0xaa: {  	[dreg:$0x4] =	wrdreg $0xC0  }
0xab: {  	_ =	task [dreg:s7], $0x5FFFF  }
0xac: {  	[dreg:$0x1] =	wrdreg $0xFFFFFFFF  }
0xad: {  	[dreg:$0x0] =	wrdreg $0x60  }
0xae: {  	[dreg:$0x2] =	wrdreg s24  }
0xaf: {  	[dreg:$0x3] =	wrdreg s2  }
0xb0: {  	[dreg:$0x4] =	wrdreg $0x9  }
0xb1: {  	_ =	task.clear_ibuf [dreg:s7], $0x5FFFF;
	_ =	strace $0x90000046  }
0xb2: {  	s29 =	simm.s32 $0x9;
	_ =	strace $0x80000048  }
0xb3: {  	_ =	swait.ge [sflag:s29], $0x1  }
0xb4: {  	[sflag:s29] =	ssyncadd.s32 $0xFFFFFFFF  }
0xb5: {  	_ =	strace $0x90000048  }
0xb6: {  	_ =	sfence  }
0xb7: {  	s30 =	sld [smem:$0x0];
	_ =	sdelay $0x2  }
0xb8: {  	s31 =	sshll.u32 s1, $0xD;
	s1 =	sshrl.u32 s1, $0x2  }
0xb9: {  	s3 =	sand.u32 $0x4000, s31;
	s1 =	sadd.s32 s1, s30  }
0xba: {  	s0 =	sor.u32 s3, s0;
	s1 =	sshll.u32 s1, $0x11  }
0xbb: {  	s0 =	sor.u32 s1, s0  }
0xbc: {  	s0 =	sadd.s32 $0x8F2B, s0  }
0xbd: {  	[sflag:s0] =	ssyncadd.remote.s32 $0x1  }
0xbe: {  	_ =	sfence.sel $0xFFFF  }
0xbf: {  	[dreg:$0x0] =	wrdreg $0xFFFFFFFF;
	(pc) =	sbr.abs _section_cstart, $3  }
0xc0: {  	[dreg:$0x1] =	wrdreg $0xFFFFFFFF  }
0xc1: {  	_ =	task.clear_ibuf [dreg:s7], $0x2FFFF;
	_ =	strace $0x9FFFFFFF  }
0xc2: {  	(tm) =	ssettm $0x7FFFFFFF  }
0xc3: {  	_ =	shalt  }
tec
execute0_lowered:
.L_overlay_start_1:
0x0: {  	(tag) =	ssettag $0x1  }
0x1: {  	s4 =	rddreg [dreg:$0x0];
	s1 =	srdreg.scid  }
0x2: {  	s0 =	stileid.u32;
	s2 =	rddreg [dreg:$0x1]  }
0x3: {  	s3 =	simm.s32 $0x0;
	s15 =	simm.s32 $0x80;
	s16 =	simm.s32 $0x400  }
0x4: {  	s17 =	simm.s32 $0x1;
	s18 =	simm.s32 $0x0;
	s8 =	sand.u32 $0x1, s1  }
0x5: {  	s5 =	sshll.u32 s0, $0x1;
	[smem:$0x7FF] =	sst s3;
	s9 =	sadd.s32 $0x800, s4  }
0x6: {  	s4 =	sadd.s32 $0x400, s4;
	s21 =	sadd.s32 $0x10, s2;
	s22 =	sadd.s32 $0x20, s2  }
0x7: {  	s23 =	sadd.s32 $0x30, s2;
	_ =	strace $0x80000047;
	[dreg:$0x4] =	wrdreg s21  }
0x8: {  	s24 =	sadd.s32 $0x40, s2;
	s25 =	sadd.s32 $0x50, s2;
	[dreg:$0x5] =	wrdreg s22  }
0x9: {  	s26 =	smul.u32 $0x640, s0;
	s28 =	sadd.s32 $0x60, s2;
	[dreg:$0x6] =	wrdreg s23  }
0xa: {  	s29 =	sadd.s32 $0x70, s2;
	s14 =	smul.u32 $0x3200, s0;
	[dreg:$0x7] =	wrdreg s24  }
0xb: {  	s5 =	sor.u32 s8, s5;
	[dreg:$0x8] =	wrdreg s25;
	s13 =	smul.u32 $0x320, s8  }
0xc: {  	s20 =	ssub.s32 $0x2, s8;
	[dreg:$0x9] =	wrdreg s28;
	s6 =	smul.u32 $0x320, s5  }
0xd: {  	[dreg:$0xa] =	wrdreg s29;
	s31 =	smul.u32 $0x1900, s8;
	s7 =	sshrl.u32 s20, $0x1  }
0xe: {  	s30 =	sadd.s32 s13, s26;
	s10 =	sand.u32 $0x7E00, s6;
	s6 =	sshrl.u32 s6, $0x9  }
0xf: {  	s11 =	ssub.s32 s20, s7;
	[dreg:$0x3] =	wrdreg s30;
	s12 =	smin.u32 s6, $0x2F  }
0x10: {  	s5 =	sadd.s32 s9, s10;
	s10 =	sadd.s32 s31, s14;
	s12 =	sshll.u32 s12, $0x9  }
0x11: {  	s14 =	simm.s32 $0x3520;
	s7 =	sadd.s32 $0x200, s5;
	s9 =	sadd.s32 s12, s9  }
0x12: {  	s8 =	sadd.s32 $0x400, s9;
	s9 =	smax.u32 s11, $0x1;
	s11 =	simm.s32 $0x2  }
.LBB2_1:
0x13: {  	[tilespmem:s3], [sflag:$0x2] =	stream.linear.gather [hbm4b:s4+s3], $0x1500, $0x38;
	[tilespmem:$0x4580] =	vst v63  }
0x14: {  	_ =	swait.ge [sflag:s11], $0x1500  }
0x15: {  	[sflag:s11] =	ssyncset.done $0x0  }
0x16: {  	s0 =	simm.s32 $0x1500;
	[sflag:s11] =	ssyncadd.s32 $0xFFFFEB00  }
0x17: {  	[tilespmem:s0], [sflag:$0x2] =	stream.linear.gather [hbm4b:s5+s3], $0x1000, $0x38;
	[tilespmem:$0x4580] =	vst v63  }
0x18: {  	_ =	swait.ge [sflag:s11], $0x1000  }
0x19: {  	[sflag:s11] =	ssyncset.done $0x0  }
0x1a: {  	s1 =	simm.s32 $0x2510;
	[sflag:s11] =	ssyncadd.s32 $0xFFFFF000  }
0x1b: {  	[tilespmem:s1], [sflag:$0x2] =	stream.linear.gather [hbm4b:s7+s3], $0x1000, $0x38;
	[tilespmem:$0x4580] =	vst v63  }
0x1c: {  	_ =	swait.ge [sflag:s11], $0x1000  }
0x1d: {  	[sflag:s11] =	ssyncset.done $0x0  }
0x1e: {  	[sflag:s11] =	ssyncadd.s32 $0xFFFFF000  }
0x1f: {  	[tilespmem:s14], [sflag:$0x2] =	stream.linear.gather [hbm4b:s8+s3], $0x1000, $0x38;
	[tilespmem:$0x4580] =	vst v63  }
0x20: {  	_ =	swait.ge [sflag:s11], $0x1000  }
0x21: {  	s19 =	rddreg [dreg:$0x3]  }
0x22: {  	s19 =	sadd.s32 $0x0, s19  }
0x23: {  	s19 =	sshrl.u32 s19, $0x9  }
0x24: {  	s20 =	ssub.s32 s19, s6  }
0x25: {  	s20 =	smul.u32 $0x4040, s20;
	_ =	sdelay $0x1  }
0x26: {  	s21 =	sand.u32 $0xFF8, s10;
	[sflag:s11] =	ssyncset.done $0x0;
	s20 =	sshra.s32 s20, $0x2  }
0x27: {  	[sflag:s11] =	ssyncadd.s32 $0xFFFFF000;
	s20 =	sadd.s32 s21, s20  }
0x28: {  	v0 =	vld [tilespmem:s20+$0x1500];
	_ =	sdelay $0x4  }
0x29: {  	v0 =	vmul.u32 $0xC00, v0;
	_ =	sdelay $0x1  }
0x2a: {  	v0 =	vshra.s32 v0, $0x2  }
0x2b: {  	(v2sf) =	vpush v0, $0x0;
	_ =	sdelay $0x1  }
0x2c: {  	(v2sf) =	vpush v0, $0x1;
	_ =	sdelay $0x1  }
0x2d: {  	(v2sf) =	vpush v0, $0x2;
	_ =	sdelay $0x2  }
0x2e: {  	(v2sf) =	vpush v0, $0x3;
	_ =	sdelay $0x2  }
0x2f: {  	s13 =	sshrl.u32 s21, $0x3;
	s12 =	smul.u32 $0x300000, s19;
	(v2sf) =	vpush v0, $0x4  }
0x30: {  	s22 =	rddreg [dreg:$0xa];
	s21 =	smul.u32 $0x1800, s13  }
0x31: {  	s23 =	rddreg [dreg:$0x9];
	(v2sf) =	vpush v0, $0x5  }
0x32: {  	s31 =	rddreg [dreg:$0x5];
	s20 =	sadd.s32 s12, s21  }
0x33: {  	s25 =	sadd.s32 $0x8, s10;
	s0 =	rddreg [dreg:$0x6];
	s26 =	sshrl.u32 s20, $0x3  }
0x34: {  	s21 =	rddreg [dreg:$0x4];
	s24 =	sadd.s32 s2, s26;
	s28 =	spop (v2sf)  }
0x35: {  	[hbm4b:s24+s15] =	stream.strided.scatter [tilespmem:s28], [sflag:$0x1], $0x300, s16, s15, $0x38;
	[tilespmem:$0x4580] =	vst v63  }
0x36: {  	s1 =	rddreg [dreg:$0x7];
	s20 =	sadd.s32 s26, s21;
	s28 =	spop (v2sf)  }
0x37: {  	[hbm4b:s20+s15] =	stream.strided.scatter [tilespmem:s28], [sflag:$0x1], $0x300, s16, s15, $0x38;
	[tilespmem:$0x4580] =	vst v63  }
0x38: {  	s29 =	rddreg [dreg:$0x8];
	s21 =	sadd.s32 s26, s31;
	s28 =	spop (v2sf)  }
0x39: {  	[hbm4b:s21+s15] =	stream.strided.scatter [tilespmem:s28], [sflag:$0x1], $0x300, s16, s15, $0x38;
	[tilespmem:$0x4580] =	vst v63  }
0x3a: {  	s19 =	simm.s32 $0x2;
	s12 =	sadd.s32 s26, s0;
	s28 =	rddreg [dreg:$0x3]  }
0x3b: {  	s29 =	sadd.s32 s26, s29;
	s13 =	spop (v2sf);
	s28 =	sadd.s32 $0x1, s28  }
0x3c: {  	[hbm4b:s12+s15] =	stream.strided.scatter [tilespmem:s13], [sflag:$0x1], $0x300, s16, s15, $0x38;
	[tilespmem:$0x4580] =	vst v63  }
0x3d: {  	s24 =	sand.u32 $0xFF8, s25;
	s20 =	sadd.s32 s26, s1;
	s31 =	sshrl.u32 s28, $0x9  }
0x3e: {  	s21 =	simm.s32 $0x3;
	s30 =	spop (v2sf);
	s28 =	ssub.s32 s31, s6  }
0x3f: {  	(v2sf) =	vpush v0, $0x6;
	[hbm4b:s20+s15] =	stream.strided.scatter [tilespmem:s30], [sflag:$0x1], $0x300, s16, s15, $0x38;
	[tilespmem:$0x4580] =	vst v63  }
0x40: {  	(v2sf) =	vpush v0, $0x7;
	s20 =	sadd.s32 $0x8, s25;
	s25 =	smul.u32 $0x300000, s31;
	s30 =	spop (v2sf)  }
.LBB2_2:
0x41: {  	_ =	sdelay $0xa  }
0x42: {  	s31 =	smul.u32 $0x4040, s28  }
0x43: {  	[hbm4b:s29+s15] =	stream.strided.scatter [tilespmem:s30], [sflag:$0x1], $0x300, s16, s15, $0x38;
	[tilespmem:$0x4580] =	vst v63  }
0x44: {  	s23 =	sadd.s32 s26, s23;
	s29 =	sshra.s32 s31, $0x2;
	s1 =	spop (v2sf)  }
0x45: {  	[hbm4b:s23+s15] =	stream.strided.scatter [tilespmem:s1], [sflag:$0x1], $0x300, s16, s15, $0x38;
	[tilespmem:$0x4580] =	vst v63  }
0x46: {  	s22 =	sadd.s32 s26, s22;
	s0 =	sadd.s32 s24, s29;
	s31 =	spop (v2sf)  }
0x47: {  	[hbm4b:s22+s15] =	stream.strided.scatter [tilespmem:s31], [sflag:$0x1], $0x300, s16, s15, $0x38;
	[tilespmem:$0x4580] =	vst v63  }
0x48: {  	v0 =	vld [tilespmem:s0+$0x1500];
	_ =	sdelay $0x4  }
0x49: {  	v0 =	vmul.u32 $0xC00, v0;
	_ =	sdelay $0x1  }
0x4a: {  	v0 =	vshra.s32 v0, $0x2  }
0x4b: {  	(v2sf) =	vpush v0, $0x0;
	_ =	sdelay $0x1  }
0x4c: {  	(v2sf) =	vpush v0, $0x1;
	_ =	sdelay $0x1  }
0x4d: {  	(v2sf) =	vpush v0, $0x2;
	_ =	sdelay $0x1  }
0x4e: {  	(v2sf) =	vpush v0, $0x3  }
0x4f: {  	(v2sf) =	vpush v0, $0x4  }
0x50: {  	s30 =	rddreg [dreg:$0x7]  }
0x51: {  	s13 =	rddreg [dreg:$0x4];
	(v2sf) =	vpush v0, $0x5  }
0x52: {  	s28 =	smov.u32 s19;
	s12 =	sshrl.u32 s24, $0x3;
	s29 =	rddreg [dreg:$0x8]  }
0x53: {  	s19 =	smov.u32 s21;
	s23 =	rddreg [dreg:$0x9];
	s1 =	smul.u32 $0x1800, s12  }
0x54: {  	p0 =	sne.s32 s21, $0x31F;
	s21 =	sadd.s32 $0x1, s21;
	s22 =	rddreg [dreg:$0xa]  }
0x55: {  	s24 =	sand.u32 $0xFF8, s20;
	s31 =	rddreg [dreg:$0x6];
	s1 =	sadd.s32 s25, s1  }
0x56: {  	s20 =	sadd.s32 $0x8, s20;
	s25 =	rddreg [dreg:$0x5];
	s26 =	sshrl.u32 s1, $0x3  }
0x57: {  	s0 =	sadd.s32 s2, s26;
	s1 =	sadd.s32 s26, s13;
	s12 =	spop (v2sf)  }
0x58: {  	[hbm4b:s0+s15] =	stream.strided.scatter [tilespmem:s12], [sflag:$0x1], $0x300, s16, s15, $0x38;
	[tilespmem:$0x4580] =	vst v63  }
0x59: {  	s29 =	sadd.s32 s26, s29;
	s0 =	rddreg [dreg:$0x3];
	s13 =	spop (v2sf)  }
0x5a: {  	[hbm4b:s1+s15] =	stream.strided.scatter [tilespmem:s13], [sflag:$0x1], $0x300, s16, s15, $0x38;
	[tilespmem:$0x4580] =	vst v63  }
0x5b: {  	s12 =	sadd.s32 s26, s31;
	s13 =	sadd.s32 s26, s25;
	s25 =	spop (v2sf)  }
0x5c: {  	[hbm4b:s13+s15] =	stream.strided.scatter [tilespmem:s25], [sflag:$0x1], $0x300, s16, s15, $0x38;
	[tilespmem:$0x4580] =	vst v63  }
.Ltmp0:
0x5d: {  	s0 =	sadd.s32 s28, s0;
	s25 =	spop (v2sf);
	(pc) =	sbr.rel @p0 .LBB2_2-.Ltmp0, $4  }
0x5e: {  	s31 =	sadd.s32 s26, s30;
	s0 =	sshrl.u32 s0, $0x9;
	s13 =	spop (v2sf)  }
0x5f: {  	[hbm4b:s12+s15] =	stream.strided.scatter [tilespmem:s25], [sflag:$0x1], $0x300, s16, s15, $0x38;
	[tilespmem:$0x4580] =	vst v63  }
0x60: {  	(v2sf) =	vpush v0, $0x6;
	s28 =	ssub.s32 s0, s6;
	s25 =	smul.u32 $0x300000, s0;
	s30 =	spop (v2sf)  }
0x61: {  	(v2sf) =	vpush v0, $0x7;
	[hbm4b:s31+s15] =	stream.strided.scatter [tilespmem:s13], [sflag:$0x1], $0x300, s16, s15, $0x38;
	[tilespmem:$0x4580] =	vst v63  }
0x62: {  	_ =	sdelay $0xa  }
0x63: {  	s0 =	smul.u32 $0x4040, s28  }
0x64: {  	[hbm4b:s29+s15] =	stream.strided.scatter [tilespmem:s30], [sflag:$0x1], $0x300, s16, s15, $0x38;
	[tilespmem:$0x4580] =	vst v63  }
0x65: {  	s1 =	sadd.s32 s26, s23;
	s0 =	sshra.s32 s0, $0x2;
	s12 =	spop (v2sf)  }
0x66: {  	[hbm4b:s1+s15] =	stream.strided.scatter [tilespmem:s12], [sflag:$0x1], $0x300, s16, s15, $0x38;
	[tilespmem:$0x4580] =	vst v63  }
0x67: {  	s23 =	sadd.s32 s26, s22;
	s0 =	sadd.s32 s24, s0;
	s26 =	spop (v2sf)  }
0x68: {  	[hbm4b:s23+s15] =	stream.strided.scatter [tilespmem:s26], [sflag:$0x1], $0x300, s16, s15, $0x38;
	[tilespmem:$0x4580] =	vst v63  }
0x69: {  	v0 =	vld [tilespmem:s0+$0x1500];
	_ =	sdelay $0x4  }
0x6a: {  	v0 =	vmul.u32 $0xC00, v0;
	_ =	sdelay $0x1  }
0x6b: {  	v0 =	vshra.s32 v0, $0x2  }
0x6c: {  	(v2sf) =	vpush v0, $0x0;
	_ =	sdelay $0x1  }
0x6d: {  	(v2sf) =	vpush v0, $0x1;
	_ =	sdelay $0x1  }
0x6e: {  	(v2sf) =	vpush v0, $0x2;
	_ =	sdelay $0x1  }
0x6f: {  	(v2sf) =	vpush v0, $0x3;
	_ =	sdelay $0x1  }
0x70: {  	(v2sf) =	vpush v0, $0x4  }
0x71: {  	s13 =	rddreg [dreg:$0x7]  }
0x72: {  	s28 =	sshrl.u32 s24, $0x3;
	s21 =	rddreg [dreg:$0x4];
	(v2sf) =	vpush v0, $0x5  }
0x73: {  	s29 =	rddreg [dreg:$0x5];
	s0 =	smul.u32 $0x1800, s28  }
0x74: {  	s1 =	rddreg [dreg:$0xa];
	(v2sf) =	vpush v0, $0x6  }
0x75: {  	s12 =	rddreg [dreg:$0x9];
	s0 =	sadd.s32 s25, s0  }
0x76: {  	s20 =	sand.u32 $0xFF8, s20;
	s28 =	rddreg [dreg:$0x6];
	s0 =	sshrl.u32 s0, $0x3;
	(v2sf) =	vpush v0, $0x7  }
0x77: {  	s25 =	rddreg [dreg:$0x3];
	s30 =	sadd.s32 s2, s0;
	s31 =	spop (v2sf)  }
0x78: {  	[hbm4b:s30+s15] =	stream.strided.scatter [tilespmem:s31], [sflag:$0x1], $0x300, s16, s15, $0x38;
	[tilespmem:$0x4580] =	vst v63  }
0x79: {  	s19 =	sadd.s32 s19, s25;
	s21 =	sadd.s32 s0, s21;
	s26 =	spop (v2sf)  }
0x7a: {  	[hbm4b:s21+s15] =	stream.strided.scatter [tilespmem:s26], [sflag:$0x1], $0x300, s16, s15, $0x38;
	[tilespmem:$0x4580] =	vst v63  }
0x7b: {  	s22 =	sadd.s32 s0, s29;
	s19 =	sshrl.u32 s19, $0x9;
	s29 =	spop (v2sf)  }
0x7c: {  	[hbm4b:s22+s15] =	stream.strided.scatter [tilespmem:s29], [sflag:$0x1], $0x300, s16, s15, $0x38;
	[tilespmem:$0x4580] =	vst v63  }
0x7d: {  	s13 =	sadd.s32 s0, s13;
	s21 =	sadd.s32 s0, s28;
	s31 =	spop (v2sf)  }
0x7e: {  	[hbm4b:s21+s15] =	stream.strided.scatter [tilespmem:s31], [sflag:$0x1], $0x300, s16, s15, $0x38;
	[tilespmem:$0x4580] =	vst v63  }
0x7f: {  	s25 =	ssub.s32 s19, s6;
	s30 =	rddreg [dreg:$0x8];
	s24 =	spop (v2sf)  }
0x80: {  	[hbm4b:s13+s15] =	stream.strided.scatter [tilespmem:s24], [sflag:$0x1], $0x300, s16, s15, $0x38;
	[tilespmem:$0x4580] =	vst v63  }
0x81: {  	s26 =	sadd.s32 s0, s30;
	s28 =	spop (v2sf);
	s29 =	smul.u32 $0x4040, s25  }
0x82: {  	[hbm4b:s26+s15] =	stream.strided.scatter [tilespmem:s28], [sflag:$0x1], $0x300, s16, s15, $0x38;
	[tilespmem:$0x4580] =	vst v63  }
0x83: {  	s12 =	sadd.s32 s0, s12;
	s30 =	spop (v2sf);
	s31 =	sshra.s32 s29, $0x2  }
0x84: {  	[hbm4b:s12+s15] =	stream.strided.scatter [tilespmem:s30], [sflag:$0x1], $0x300, s16, s15, $0x38;
	[tilespmem:$0x4580] =	vst v63  }
0x85: {  	s0 =	sadd.s32 s0, s1;
	s22 =	sadd.s32 s20, s31;
	s13 =	spop (v2sf)  }
0x86: {  	[hbm4b:s0+s15] =	stream.strided.scatter [tilespmem:s13], [sflag:$0x1], $0x300, s16, s15, $0x38;
	[tilespmem:$0x4580] =	vst v63  }
0x87: {  	v63 =	vld [tilespmem:s22+$0x1500];
	_ =	sdelay $0x4  }
0x88: {  	v0 =	vmul.u32 $0xC00, v63;
	_ =	sdelay $0x1  }
0x89: {  	v0 =	vshra.s32 v0, $0x2  }
0x8a: {  	(v2sf) =	vpush v0, $0x0;
	_ =	sdelay $0x1  }
0x8b: {  	(v2sf) =	vpush v0, $0x1;
	_ =	sdelay $0x1  }
0x8c: {  	(v2sf) =	vpush v0, $0x2;
	_ =	sdelay $0x1  }
0x8d: {  	(v2sf) =	vpush v0, $0x3;
	_ =	sdelay $0x1  }
0x8e: {  	(v2sf) =	vpush v0, $0x4;
	_ =	sdelay $0x1  }
0x8f: {  	s23 =	smul.u32 $0x300000, s19;
	s24 =	sshrl.u32 s20, $0x3;
	(v2sf) =	vpush v0, $0x5  }
0x90: {  	s1 =	smul.u32 $0x1800, s24  }
0x91: {  	(v2sf) =	vpush v0, $0x6  }
0x92: {  	s0 =	sadd.s32 s23, s1  }
0x93: {  	s0 =	sshrl.u32 s0, $0x3;
	(v2sf) =	vpush v0, $0x7  }
0x94: {  	s25 =	rddreg [dreg:$0x4];
	s28 =	sadd.s32 s2, s0;
	s29 =	spop (v2sf)  }
0x95: {  	[hbm4b:s28+s15] =	stream.strided.scatter [tilespmem:s29], [sflag:$0x1], $0x300, s16, s15, $0x38;
	[tilespmem:$0x4580] =	vst v63  }
0x96: {  	s26 =	rddreg [dreg:$0x5];
	s1 =	sadd.s32 s0, s25;
	s31 =	spop (v2sf)  }
0x97: {  	[hbm4b:s1+s15] =	stream.strided.scatter [tilespmem:s31], [sflag:$0x1], $0x300, s16, s15, $0x38;
	[tilespmem:$0x4580] =	vst v63  }
0x98: {  	s30 =	rddreg [dreg:$0x6];
	s12 =	sadd.s32 s0, s26;
	s21 =	spop (v2sf)  }
0x99: {  	[hbm4b:s12+s15] =	stream.strided.scatter [tilespmem:s21], [sflag:$0x1], $0x300, s16, s15, $0x38;
	[tilespmem:$0x4580] =	vst v63  }
0x9a: {  	s20 =	rddreg [dreg:$0x7];
	s13 =	sadd.s32 s0, s30;
	s23 =	spop (v2sf)  }
0x9b: {  	[hbm4b:s13+s15] =	stream.strided.scatter [tilespmem:s23], [sflag:$0x1], $0x300, s16, s15, $0x38;
	[tilespmem:$0x4580] =	vst v63  }
0x9c: {  	s22 =	rddreg [dreg:$0x8];
	s1 =	sadd.s32 s0, s20;
	s25 =	spop (v2sf)  }
0x9d: {  	[hbm4b:s1+s15] =	stream.strided.scatter [tilespmem:s25], [sflag:$0x1], $0x300, s16, s15, $0x38;
	[tilespmem:$0x4580] =	vst v63  }
0x9e: {  	s24 =	rddreg [dreg:$0x9];
	s12 =	sadd.s32 s0, s22;
	s28 =	spop (v2sf)  }
0x9f: {  	[hbm4b:s12+s15] =	stream.strided.scatter [tilespmem:s28], [sflag:$0x1], $0x300, s16, s15, $0x38;
	[tilespmem:$0x4580] =	vst v63  }
0xa0: {  	s26 =	rddreg [dreg:$0xa];
	s29 =	sadd.s32 s0, s24;
	s30 =	spop (v2sf)  }
0xa1: {  	[hbm4b:s29+s15] =	stream.strided.scatter [tilespmem:s30], [sflag:$0x1], $0x300, s16, s15, $0x38;
	[tilespmem:$0x4580] =	vst v63  }
0xa2: {  	s0 =	sadd.s32 s0, s26;
	s31 =	spop (v2sf)  }
0xa3: {  	[hbm4b:s0+s15] =	stream.strided.scatter [tilespmem:s31], [sflag:$0x1], $0x300, s16, s15, $0x38;
	[tilespmem:$0x4580] =	vst v63  }
0xa4: {  	_ =	swait.ge [sflag:s17], $0x18000  }
0xa5: {  	s19 =	simm.s32 $0x31;
	[sflag:s17] =	ssyncset.done $0x0  }
.LBB2_4:
0xa6: {  	p0 =	sne.s32 s19, $0x1;
	s19 =	sadd.s32 $0xFFFFFFFF, s19;
	[sflag:s17] =	ssyncadd.s32 $0xFFFE8000  }
.Ltmp1:
0xa7: {  	(pc) =	sbr.rel @p0 .LBB2_4-.Ltmp1, $3  }
0xa8: {  	_ =	sdelay $0x1  }
0xa9: {  	_ =	swait.ge [sflag:s17], $0x18000  }
0xaa: {  	[sflag:s17] =	ssyncset.done $0x0  }
0xab: {  	s18 =	sadd.s32 $0x1, s18  }
0xac: {  	p0 =	sne.s32 s18, s9  }
.Ltmp2:
0xad: {  	_ = 	snop;
	(pc) =	sbr.rel @p0 .LBB2_1-.Ltmp2, $2  }
0xae: {  	_ =	sdelay $0x2  }
0xaf: {  	[sflag:s17] =	ssyncadd.s32 $0xFFFE8000  }
0xb0: {  	_ =	sfence.sel $0x180000  }
0xb1: {  	[bflag:$0x0] =	sbarrier.arrive $0xFFFF  }
0xb2: {  	_ =	strace $0x90000047  }
0xb3: {  	s0 =	stileid.u32;
	[bflag:$0x2] =	sbarrier.arrive $0xFFFF  }
0xb4: {  	p0 =	sne.s32 s0, $0x0;
	s0 =	rddreg [dreg:$0x2]  }
0xb5: {  	s0 =	sadd.s32 @!p0 $0x100000, s0  }
0xb6: {  	[sflag:s0] =	ssyncadd.tile.s32 @!p0 $0x1;
	_ =	shalt  }
.Lfunc_end2:
_tile_overlayer_lowered:
.L_overlay_start_2:
0xb7: {  	(tag) =	ssettag $0x2  }
0xb8: {  	s0 =	rddreg [dreg:$0x0];
	s2 =	stileid.u32  }
0xb9: {  	s1 =	rddreg [dreg:$0x1];
	p0 =	sne.s32 s2, $0x0  }
0xba: {  	s3 =	rddreg [dreg:$0x2];
	[bflag:$0x3] =	sbarrier.arrive $0xFFFF;
	s2 =	simm.s32 @!p0 $0x1C02  }
0xbb: {  	[timem:s3], [sflag:s2] =	dma.local @!p0 [hbm:s0], s1  }
0xbc: {  	s0 =	simm.s32 @!p0 $0x2  }
0xbd: {  	_ =	swait.ge @!p0 [sflag:s0], s1  }
0xbe: {  	s1 =	ssub.s32 @!p0 $0x0, s1;
	[sflag:s0] =	ssyncset.done @!p0 $0x0  }
0xbf: {  	[sflag:s0] =	ssyncadd.s32 @!p0 s1  }
0xc0: {  	[bflag:$0x3] =	sbarrier.arrive $0xFFFF  }
0xc1: {  	_ =	shalt  }

</sc_bundles>
